<compile_context>
chip_gen: v7x
topology: tpu7x:2x2x1
jax: 0.10.2.dev20260603
libtpu: 0.0.44.dev20260713+nightly
codegen_flags: <defaults>
</compile_context>

<pallas_src>
import functools

import jax
import jax.numpy as jnp
from jax import lax
from jax.experimental import pallas as pl
from jax.experimental.pallas import tpu as pltpu
from jax.experimental.pallas import tpu_sc as plsc

N = 16384
D = 32
K = 8192
EPS = 1e-12
BN = 512
NB = N // BN


def _main_body(x_ref, c_ref, rv_ref, xsq_ref, c2_ref, quant_ref, idx_ref):
    x = x_ref[...]
    c = c_ref[...]
    rv = rv_ref[...]
    xsq = xsq_ref[...]
    c2 = c2_ref[...]
    s = lax.dot_general(x, c, (((1,), (1,)), ((), ())),
                        preferred_element_type=jnp.float32)
    dist = (xsq - 2.0 * s) + c2
    m = jnp.min(dist, axis=1, keepdims=True)
    kiota = lax.broadcasted_iota(jnp.int32, dist.shape, 1)
    cand = jnp.where(dist == m, kiota, K)
    idx = jnp.min(cand, axis=1, keepdims=True)
    resid = jnp.sqrt(jnp.maximum(m, 0.0))
    rvn = jnp.sqrt(jnp.sum(rv * rv, axis=1, keepdims=True))
    quant_ref[...] = x + (resid / (rvn + EPS)) * rv
    idx_ref[...] = idx


def _reduce_perplexity_body(part_ref, counts_ref, perp_ref):
    counts = jnp.sum(part_ref[...], axis=0, keepdims=True)
    counts_ref[...] = counts
    p = counts.astype(jnp.float32) / float(N)
    ent = -jnp.sum(p * jnp.log(p + EPS), keepdims=True)
    perp_ref[...] = jnp.exp(ent)


def _sc_bincount(idx_rows):
    info = plsc.get_sparse_core_info()
    nc, ns = info.num_cores, info.num_subcores
    nw = nc * ns
    rows_per_tile = idx_rows.shape[0] // nw
    mesh = plsc.VectorSubcoreMesh(core_axis_name="c", subcore_axis_name="s")

    @functools.partial(
        pl.kernel, mesh=mesh,
        out_type=jax.ShapeDtypeStruct((nc, K), jnp.int32),
        scratch_types=[
            pltpu.VMEM((rows_per_tile, 128), jnp.int32),
            pltpu.VMEM((128,), jnp.int32),
            pltpu.VMEM((K,), jnp.int32),
            pltpu.VMEM_SHARED((K,), jnp.int32),
        ],
    )
    def hist(idx_hbm, out_hbm, idx_v, ones_v, zeros_v, shared):
        cid = lax.axis_index("c")
        sid = lax.axis_index("s")
        wid = sid * nc + cid
        pltpu.sync_copy(idx_hbm.at[pl.ds(wid * rows_per_tile, rows_per_tile)],
                        idx_v)
        one16 = jnp.ones((16,), jnp.int32)
        zero16 = jnp.zeros((16,), jnp.int32)
        for i in range(8):
            ones_v[pl.ds(i * 16, 16)] = one16

        @pl.when(sid == 0)
        def _():
            def zbody(i, carry):
                zeros_v[pl.ds(i * 16, 16)] = zero16
                return carry

            lax.fori_loop(0, K // 16, zbody, 0)
            pltpu.sync_copy(zeros_v, shared)

        plsc.subcore_barrier()
        for j in range(rows_per_tile):
            pltpu.sync_copy(ones_v, shared.at[idx_v.at[j]], add=True)
        plsc.subcore_barrier()

        @pl.when(sid == 0)
        def _():
            pltpu.sync_copy(shared, out_hbm.at[cid])

    return hist(idx_rows)


def kernel(input_data, codebooks):
    xsq = jnp.sum(input_data ** 2, axis=1, keepdims=True)
    c2 = jnp.sum(codebooks.T ** 2, axis=0, keepdims=True)
    rv = jax.random.normal(jax.random.key(1234), input_data.shape,
                           dtype=jnp.float32)
    quant, idx = pl.pallas_call(
        _main_body,
        grid=(NB,),
        in_specs=[
            pl.BlockSpec((BN, D), lambda i: (i, 0)),
            pl.BlockSpec((K, D), lambda i: (0, 0)),
            pl.BlockSpec((BN, D), lambda i: (i, 0)),
            pl.BlockSpec((BN, 1), lambda i: (i, 0)),
            pl.BlockSpec((1, K), lambda i: (0, 0)),
        ],
        out_specs=[
            pl.BlockSpec((BN, D), lambda i: (i, 0)),
            pl.BlockSpec((BN, 1), lambda i: (i, 0)),
        ],
        out_shape=[
            jax.ShapeDtypeStruct((N, D), jnp.float32),
            jax.ShapeDtypeStruct((N, 1), jnp.int32),
        ],
    )(input_data, codebooks, rv, xsq, c2)

    partials = _sc_bincount(idx.reshape(N // 128, 128))

    counts, perp = pl.pallas_call(
        _reduce_perplexity_body,
        in_specs=[pl.BlockSpec(partials.shape, lambda: (0, 0))],
        out_specs=[pl.BlockSpec((1, K), lambda: (0, 0)),
                   pl.BlockSpec((1, 1), lambda: (0, 0))],
        out_shape=[jax.ShapeDtypeStruct((1, K), jnp.int32),
                   jax.ShapeDtypeStruct((1, 1), jnp.float32)],
    )(partials)

    return (quant, perp.reshape(()), counts.reshape(K))

# --- scband reference (transcript-rebuilt; emitter-appended) ---
"""Pipeline reference for scband-nsvq-50199577756057 (READ-ONLY COPY).

The authoritative reference and input builder live on the scoring server;
editing this copy changes nothing except your own understanding.
"""

import jax, jax.numpy as jnp
import numpy as np

NUM_EMBEDDINGS = 8192
EMBEDDING_DIM = 32
EPS = 1e-12


def setup_inputs(seed: int = 0) -> dict:
    key = jax.random.key(seed)
    k1, k2 = jax.random.split(key, 2)
    input_data = jax.random.normal(k1, (16384, EMBEDDING_DIM), dtype=jnp.float32)
    codebooks = jax.random.normal(k2, (NUM_EMBEDDINGS, EMBEDDING_DIM), dtype=jnp.float32)
    return {"input_data": input_data, "codebooks": codebooks}


def reference(input_data, codebooks):
    # distances (N, K): ||x||^2 - 2 x C^T + ||c||^2
    distances = (
        jnp.sum(input_data ** 2, axis=1, keepdims=True)
        - 2.0 * jnp.matmul(input_data, codebooks.T)
        + jnp.sum(codebooks.T ** 2, axis=0, keepdims=True)
    )
    min_indices = jnp.argmin(distances, axis=1)
    hard_quantized_input = jnp.take(codebooks, min_indices, axis=0)
    # NSVQ noise-substitution trick: random vector with fixed key (torch version is
    # nondeterministic; we fix the key for reproducibility)
    random_vector = jax.random.normal(jax.random.key(1234), input_data.shape, dtype=jnp.float32)
    norm_quantization_residual = jnp.sqrt(
        jnp.sum((input_data - hard_quantized_input) ** 2, axis=1, keepdims=True)
    )
    norm_random_vector = jnp.sqrt(jnp.sum(random_vector ** 2, axis=1, keepdims=True))
    vq_error = (norm_quantization_residual / (norm_random_vector + EPS)) * random_vector
    quantized_input = input_data + vq_error
    # perplexity via bincount of codeword assignments (equivalent to one-hot scatter + mean)
    counts = jnp.bincount(min_indices, length=NUM_EMBEDDINGS)
    avg_probs = counts.astype(jnp.float32) / input_data.shape[0]
    perplexity = jnp.exp(-jnp.sum(avg_probs * jnp.log(avg_probs + EPS)))
    # codebooks_used counter update (scatter-add)
    codebooks_used = jnp.zeros((NUM_EMBEDDINGS,), dtype=jnp.int32).at[min_indices].add(1)
    return (quantized_input, perplexity, codebooks_used)

if __name__ == "__main__":
    import jax
    _d = setup_inputs()
    print(jax.jit(kernel)(*tuple(_d.values())))

</pallas_src>

<mosaic_0001>
#map = affine_map<(d0, d1) -> (0, 0)>
module attributes {stable_mosaic.version = 14 : i64} {
  func.func @hist(%arg0: i32, %arg1: i32, %arg2: memref<128x128xi32, #tpu.memory_space<hbm>>, %arg3: memref<2x8192xi32, #tpu.memory_space<hbm>>, %arg4: memref<4x128xi32, #tpu.memory_space<vmem>>, %arg5: memref<128xi32, #tpu.memory_space<vmem>>, %arg6: memref<8192xi32, #tpu.memory_space<vmem>>, %arg7: memref<8192xi32, #tpu.memory_space<vmem_shared>>) attributes {dimension_semantics = [#tpu.dimension_semantics<core_parallel>, #tpu.dimension_semantics<subcore_parallel>], iteration_bounds = array<i64: 2, 16>, scalar_prefetch = 0 : i64, scratch_operands = 4 : i64, tpu.core_type = #tpu.core_type<sc_vector_subcore>, window_params = [{transform_indices = #map}, {transform_indices = #map}]} {
    %mul3A = arith.constant 2 : i32
    %mul3A_0 = arith.muli %arg1, %mul3A : i32
    %add3A = arith.addi %mul3A_0, %arg0 : i32
    %mul3A_1 = arith.constant 4 : i32
    %mul3A_2 = arith.muli %add3A, %mul3A_1 : i32
    "tpu.region"() ({
      %run_scoped3A_48 = tpu.sem_alloc : memref<!tpu.dma_semaphore, #tpu.memory_space<semaphore_mem>>
      %dma_start3A = arith.constant 0 : i32
      %dma_start3A_49 = tpu.memref_slice %arg2[%mul3A_2, %dma_start3A] : memref<128x128xi32, #tpu.memory_space<hbm>> -> memref<4x128xi32, #tpu.memory_space<hbm>>
      %dma_start3A_50 = arith.constant 0 : i32
      %dma_start3A_51 = tpu.memref_slice %arg2[%mul3A_2, %dma_start3A_50] : memref<128x128xi32, #tpu.memory_space<hbm>> -> memref<4x128xi32, #tpu.memory_space<hbm>>
      tpu.enqueue_dma source(%dma_start3A_51 : memref<4x128xi32, #tpu.memory_space<hbm>>) target(%arg4 : memref<4x128xi32, #tpu.memory_space<vmem>>) target_semaphore(%run_scoped3A_48 : memref<!tpu.dma_semaphore, #tpu.memory_space<semaphore_mem>>)
      %dma_wait3A = arith.constant 0 : i32
      %dma_wait3A_52 = tpu.memref_slice %arg2[%mul3A_2, %dma_wait3A] : memref<128x128xi32, #tpu.memory_space<hbm>> -> memref<4x128xi32, #tpu.memory_space<hbm>>
      %dma_wait3A_53 = arith.constant 0 : i32
      %dma_wait3A_54 = tpu.memref_slice %arg2[%mul3A_2, %dma_wait3A_53] : memref<128x128xi32, #tpu.memory_space<hbm>> -> memref<4x128xi32, #tpu.memory_space<hbm>>
      tpu.wait_dma2 semaphore(%run_scoped3A_48 : memref<!tpu.dma_semaphore, #tpu.memory_space<semaphore_mem>>) src(%dma_wait3A_54 : memref<4x128xi32, #tpu.memory_space<hbm>>) dst(%arg4 : memref<4x128xi32, #tpu.memory_space<vmem>>)
      tpu.yield
    }) : () -> ()
    %broadcast_in_dim3A = arith.constant 1 : i32
    %broadcast_in_dim3A_3 = vector.broadcast %broadcast_in_dim3A : i32 to vector<16xi32>
    %broadcast_in_dim3A_4 = arith.constant 0 : i32
    %broadcast_in_dim3A_5 = vector.broadcast %broadcast_in_dim3A_4 : i32 to vector<16xi32>
    %swap3A = arith.constant 0 : index
    %swap3A_6 = tpu.vector_load %arg5[%swap3A] {strides = array<i32>} : memref<128xi32, #tpu.memory_space<vmem>>, vector<16xi32>,
    %swap3A_7 = vector.shape_cast %swap3A_6 : vector<16xi32> to vector<16xi32>
    %swap3A_8 = vector.shape_cast %broadcast_in_dim3A_3 : vector<16xi32> to vector<16xi32>
    tpu.vector_store %arg5[%swap3A], %swap3A_8 {strides = array<i32>} : memref<128xi32, #tpu.memory_space<vmem>>, vector<16xi32>,
    %swap3A_9 = arith.constant 16 : index
    %swap3A_10 = tpu.vector_load %arg5[%swap3A_9] {strides = array<i32>} : memref<128xi32, #tpu.memory_space<vmem>>, vector<16xi32>,
    %swap3A_11 = vector.shape_cast %swap3A_10 : vector<16xi32> to vector<16xi32>
    %swap3A_12 = vector.shape_cast %broadcast_in_dim3A_3 : vector<16xi32> to vector<16xi32>
    tpu.vector_store %arg5[%swap3A_9], %swap3A_12 {strides = array<i32>} : memref<128xi32, #tpu.memory_space<vmem>>, vector<16xi32>,
    %swap3A_13 = arith.constant 32 : index
    %swap3A_14 = tpu.vector_load %arg5[%swap3A_13] {strides = array<i32>} : memref<128xi32, #tpu.memory_space<vmem>>, vector<16xi32>,
    %swap3A_15 = vector.shape_cast %swap3A_14 : vector<16xi32> to vector<16xi32>
    %swap3A_16 = vector.shape_cast %broadcast_in_dim3A_3 : vector<16xi32> to vector<16xi32>
    tpu.vector_store %arg5[%swap3A_13], %swap3A_16 {strides = array<i32>} : memref<128xi32, #tpu.memory_space<vmem>>, vector<16xi32>,
    %swap3A_17 = arith.constant 48 : index
    %swap3A_18 = tpu.vector_load %arg5[%swap3A_17] {strides = array<i32>} : memref<128xi32, #tpu.memory_space<vmem>>, vector<16xi32>,
    %swap3A_19 = vector.shape_cast %swap3A_18 : vector<16xi32> to vector<16xi32>
    %swap3A_20 = vector.shape_cast %broadcast_in_dim3A_3 : vector<16xi32> to vector<16xi32>
    tpu.vector_store %arg5[%swap3A_17], %swap3A_20 {strides = array<i32>} : memref<128xi32, #tpu.memory_space<vmem>>, vector<16xi32>,
    %swap3A_21 = arith.constant 64 : index
    %swap3A_22 = tpu.vector_load %arg5[%swap3A_21] {strides = array<i32>} : memref<128xi32, #tpu.memory_space<vmem>>, vector<16xi32>,
    %swap3A_23 = vector.shape_cast %swap3A_22 : vector<16xi32> to vector<16xi32>
    %swap3A_24 = vector.shape_cast %broadcast_in_dim3A_3 : vector<16xi32> to vector<16xi32>
    tpu.vector_store %arg5[%swap3A_21], %swap3A_24 {strides = array<i32>} : memref<128xi32, #tpu.memory_space<vmem>>, vector<16xi32>,
    %swap3A_25 = arith.constant 80 : index
    %swap3A_26 = tpu.vector_load %arg5[%swap3A_25] {strides = array<i32>} : memref<128xi32, #tpu.memory_space<vmem>>, vector<16xi32>,
    %swap3A_27 = vector.shape_cast %swap3A_26 : vector<16xi32> to vector<16xi32>
    %swap3A_28 = vector.shape_cast %broadcast_in_dim3A_3 : vector<16xi32> to vector<16xi32>
    tpu.vector_store %arg5[%swap3A_25], %swap3A_28 {strides = array<i32>} : memref<128xi32, #tpu.memory_space<vmem>>, vector<16xi32>,
    %swap3A_29 = arith.constant 96 : index
    %swap3A_30 = tpu.vector_load %arg5[%swap3A_29] {strides = array<i32>} : memref<128xi32, #tpu.memory_space<vmem>>, vector<16xi32>,
    %swap3A_31 = vector.shape_cast %swap3A_30 : vector<16xi32> to vector<16xi32>
    %swap3A_32 = vector.shape_cast %broadcast_in_dim3A_3 : vector<16xi32> to vector<16xi32>
    tpu.vector_store %arg5[%swap3A_29], %swap3A_32 {strides = array<i32>} : memref<128xi32, #tpu.memory_space<vmem>>, vector<16xi32>,
    %swap3A_33 = arith.constant 112 : index
    %swap3A_34 = tpu.vector_load %arg5[%swap3A_33] {strides = array<i32>} : memref<128xi32, #tpu.memory_space<vmem>>, vector<16xi32>,
    %swap3A_35 = vector.shape_cast %swap3A_34 : vector<16xi32> to vector<16xi32>
    %swap3A_36 = vector.shape_cast %broadcast_in_dim3A_3 : vector<16xi32> to vector<16xi32>
    tpu.vector_store %arg5[%swap3A_33], %swap3A_36 {strides = array<i32>} : memref<128xi32, #tpu.memory_space<vmem>>, vector<16xi32>,
    %eq3A = arith.constant 0 : i32
    %eq3A_37 = arith.cmpi eq, %arg1, %eq3A : i32
    %convert_element_type3A = arith.extui %eq3A_37 : i1 to i32
    %cond3A = arith.constant 0 : i32
    %cond3A_38 = arith.cmpi ne, %convert_element_type3A, %cond3A : i32
    scf.if %cond3A_38 {
      %scan3A = arith.constant 0 : i32
      %scan3A_48 = arith.constant 0 : i32
      %scan3A_49 = arith.constant 512 : i32
      %scan3A_50 = arith.addi %scan3A_48, %scan3A_49 : i32
      %scan3A_51 = arith.constant 1 : i32
      scf.for %scan3A_53 = %scan3A_48 to %scan3A_50 step %scan3A_51  : i32 {
        %mul3A_54 = arith.constant 16 : i32
        %mul3A_55 = arith.muli %scan3A_53, %mul3A_54 : i32
        %swap3A_56 = arith.index_cast %mul3A_55 : i32 to index
        %swap3A_57 = tpu.vector_load %arg6[%swap3A_56] {strides = array<i32>} : memref<8192xi32, #tpu.memory_space<vmem>>, vector<16xi32>,
        %swap3A_58 = vector.shape_cast %swap3A_57 : vector<16xi32> to vector<16xi32>
        %swap3A_59 = vector.shape_cast %broadcast_in_dim3A_5 : vector<16xi32> to vector<16xi32>
        tpu.vector_store %arg6[%swap3A_56], %swap3A_59 {strides = array<i32>} : memref<8192xi32, #tpu.memory_space<vmem>>, vector<16xi32>,
      }
      %scan3A_52 = arith.constant 512 : i32
      "tpu.region"() ({
        %run_scoped3A_53 = tpu.sem_alloc : memref<!tpu.dma_semaphore, #tpu.memory_space<semaphore_mem>>
        tpu.enqueue_dma source(%arg6 : memref<8192xi32, #tpu.memory_space<vmem>>) target(%arg7 : memref<8192xi32, #tpu.memory_space<vmem_shared>>) target_semaphore(%run_scoped3A_53 : memref<!tpu.dma_semaphore, #tpu.memory_space<semaphore_mem>>)
        tpu.wait_dma2 semaphore(%run_scoped3A_53 : memref<!tpu.dma_semaphore, #tpu.memory_space<semaphore_mem>>) src(%arg6 : memref<8192xi32, #tpu.memory_space<vmem>>) dst(%arg7 : memref<8192xi32, #tpu.memory_space<vmem_shared>>)
        tpu.yield
      }) : () -> ()
    } else {
    }
    %barrier3A = arith.constant 0 : index
    tpu.barrier barrier_id(%barrier3A)
    %run_scoped3A = arith.constant 0 : i32
    "tpu.region"() ({
      %run_scoped3A_48 = tpu.sem_alloc : memref<!tpu.dma_semaphore, #tpu.memory_space<semaphore_mem>>
      %dma_start3A = arith.constant 0 : i32
      %dma_start3A_49 = tpu.memref_slice %arg4[%run_scoped3A, %dma_start3A] : memref<4x128xi32, #tpu.memory_space<vmem>> -> memref<1x128xi32, #tpu.memory_space<vmem>>
      %dma_start3A_50 = tpu.memref_squeeze %dma_start3A_49 : memref<1x128xi32, #tpu.memory_space<vmem>> -> memref<128xi32, #tpu.memory_space<vmem>>
      %dma_start3A_51 = arith.constant 0 : i32
      %dma_start3A_52 = tpu.memref_slice %arg7[%dma_start3A_51] : memref<8192xi32, #tpu.memory_space<vmem_shared>> -> memref<8192xi32, #tpu.memory_space<vmem_shared>>
      tpu.enqueue_indirect_dma source(%arg5 : memref<128xi32, #tpu.memory_space<vmem>>) target(%dma_start3A_52 : memref<8192xi32, #tpu.memory_space<vmem_shared>>) offsets(%dma_start3A_50 : memref<128xi32, #tpu.memory_space<vmem>>) semaphore(%run_scoped3A_48 : memref<!tpu.dma_semaphore, #tpu.memory_space<semaphore_mem>>) {add = true}
      %dma_wait3A = arith.constant 0 : i32
      %dma_wait3A_53 = tpu.memref_slice %arg4[%run_scoped3A, %dma_wait3A] : memref<4x128xi32, #tpu.memory_space<vmem>> -> memref<1x128xi32, #tpu.memory_space<vmem>>
      %dma_wait3A_54 = tpu.memref_squeeze %dma_wait3A_53 : memref<1x128xi32, #tpu.memory_space<vmem>> -> memref<128xi32, #tpu.memory_space<vmem>>
      %dma_wait3A_55 = arith.constant 0 : i32
      %dma_wait3A_56 = tpu.memref_slice %arg7[%dma_wait3A_55] : memref<8192xi32, #tpu.memory_space<vmem_shared>> -> memref<8192xi32, #tpu.memory_space<vmem_shared>>
      tpu.wait_indirect_dma semaphore(%run_scoped3A_48 : memref<!tpu.dma_semaphore, #tpu.memory_space<semaphore_mem>>) src(%arg5 : memref<128xi32, #tpu.memory_space<vmem>>) dst(%dma_wait3A_56 : memref<8192xi32, #tpu.memory_space<vmem_shared>>)
      tpu.yield
    }) : () -> ()
    %run_scoped3A_39 = arith.constant 1 : i32
    "tpu.region"() ({
      %run_scoped3A_48 = tpu.sem_alloc : memref<!tpu.dma_semaphore, #tpu.memory_space<semaphore_mem>>
      %dma_start3A = arith.constant 0 : i32
      %dma_start3A_49 = tpu.memref_slice %arg4[%run_scoped3A_39, %dma_start3A] : memref<4x128xi32, #tpu.memory_space<vmem>> -> memref<1x128xi32, #tpu.memory_space<vmem>>
      %dma_start3A_50 = tpu.memref_squeeze %dma_start3A_49 : memref<1x128xi32, #tpu.memory_space<vmem>> -> memref<128xi32, #tpu.memory_space<vmem>>
      %dma_start3A_51 = arith.constant 0 : i32
      %dma_start3A_52 = tpu.memref_slice %arg7[%dma_start3A_51] : memref<8192xi32, #tpu.memory_space<vmem_shared>> -> memref<8192xi32, #tpu.memory_space<vmem_shared>>
      tpu.enqueue_indirect_dma source(%arg5 : memref<128xi32, #tpu.memory_space<vmem>>) target(%dma_start3A_52 : memref<8192xi32, #tpu.memory_space<vmem_shared>>) offsets(%dma_start3A_50 : memref<128xi32, #tpu.memory_space<vmem>>) semaphore(%run_scoped3A_48 : memref<!tpu.dma_semaphore, #tpu.memory_space<semaphore_mem>>) {add = true}
      %dma_wait3A = arith.constant 0 : i32
      %dma_wait3A_53 = tpu.memref_slice %arg4[%run_scoped3A_39, %dma_wait3A] : memref<4x128xi32, #tpu.memory_space<vmem>> -> memref<1x128xi32, #tpu.memory_space<vmem>>
      %dma_wait3A_54 = tpu.memref_squeeze %dma_wait3A_53 : memref<1x128xi32, #tpu.memory_space<vmem>> -> memref<128xi32, #tpu.memory_space<vmem>>
      %dma_wait3A_55 = arith.constant 0 : i32
      %dma_wait3A_56 = tpu.memref_slice %arg7[%dma_wait3A_55] : memref<8192xi32, #tpu.memory_space<vmem_shared>> -> memref<8192xi32, #tpu.memory_space<vmem_shared>>
      tpu.wait_indirect_dma semaphore(%run_scoped3A_48 : memref<!tpu.dma_semaphore, #tpu.memory_space<semaphore_mem>>) src(%arg5 : memref<128xi32, #tpu.memory_space<vmem>>) dst(%dma_wait3A_56 : memref<8192xi32, #tpu.memory_space<vmem_shared>>)
      tpu.yield
    }) : () -> ()
    %run_scoped3A_40 = arith.constant 2 : i32
    "tpu.region"() ({
      %run_scoped3A_48 = tpu.sem_alloc : memref<!tpu.dma_semaphore, #tpu.memory_space<semaphore_mem>>
      %dma_start3A = arith.constant 0 : i32
      %dma_start3A_49 = tpu.memref_slice %arg4[%run_scoped3A_40, %dma_start3A] : memref<4x128xi32, #tpu.memory_space<vmem>> -> memref<1x128xi32, #tpu.memory_space<vmem>>
      %dma_start3A_50 = tpu.memref_squeeze %dma_start3A_49 : memref<1x128xi32, #tpu.memory_space<vmem>> -> memref<128xi32, #tpu.memory_space<vmem>>
      %dma_start3A_51 = arith.constant 0 : i32
      %dma_start3A_52 = tpu.memref_slice %arg7[%dma_start3A_51] : memref<8192xi32, #tpu.memory_space<vmem_shared>> -> memref<8192xi32, #tpu.memory_space<vmem_shared>>
      tpu.enqueue_indirect_dma source(%arg5 : memref<128xi32, #tpu.memory_space<vmem>>) target(%dma_start3A_52 : memref<8192xi32, #tpu.memory_space<vmem_shared>>) offsets(%dma_start3A_50 : memref<128xi32, #tpu.memory_space<vmem>>) semaphore(%run_scoped3A_48 : memref<!tpu.dma_semaphore, #tpu.memory_space<semaphore_mem>>) {add = true}
      %dma_wait3A = arith.constant 0 : i32
      %dma_wait3A_53 = tpu.memref_slice %arg4[%run_scoped3A_40, %dma_wait3A] : memref<4x128xi32, #tpu.memory_space<vmem>> -> memref<1x128xi32, #tpu.memory_space<vmem>>
      %dma_wait3A_54 = tpu.memref_squeeze %dma_wait3A_53 : memref<1x128xi32, #tpu.memory_space<vmem>> -> memref<128xi32, #tpu.memory_space<vmem>>
      %dma_wait3A_55 = arith.constant 0 : i32
      %dma_wait3A_56 = tpu.memref_slice %arg7[%dma_wait3A_55] : memref<8192xi32, #tpu.memory_space<vmem_shared>> -> memref<8192xi32, #tpu.memory_space<vmem_shared>>
      tpu.wait_indirect_dma semaphore(%run_scoped3A_48 : memref<!tpu.dma_semaphore, #tpu.memory_space<semaphore_mem>>) src(%arg5 : memref<128xi32, #tpu.memory_space<vmem>>) dst(%dma_wait3A_56 : memref<8192xi32, #tpu.memory_space<vmem_shared>>)
      tpu.yield
    }) : () -> ()
    %run_scoped3A_41 = arith.constant 3 : i32
    "tpu.region"() ({
      %run_scoped3A_48 = tpu.sem_alloc : memref<!tpu.dma_semaphore, #tpu.memory_space<semaphore_mem>>
      %dma_start3A = arith.constant 0 : i32
      %dma_start3A_49 = tpu.memref_slice %arg4[%run_scoped3A_41, %dma_start3A] : memref<4x128xi32, #tpu.memory_space<vmem>> -> memref<1x128xi32, #tpu.memory_space<vmem>>
      %dma_start3A_50 = tpu.memref_squeeze %dma_start3A_49 : memref<1x128xi32, #tpu.memory_space<vmem>> -> memref<128xi32, #tpu.memory_space<vmem>>
      %dma_start3A_51 = arith.constant 0 : i32
      %dma_start3A_52 = tpu.memref_slice %arg7[%dma_start3A_51] : memref<8192xi32, #tpu.memory_space<vmem_shared>> -> memref<8192xi32, #tpu.memory_space<vmem_shared>>
      tpu.enqueue_indirect_dma source(%arg5 : memref<128xi32, #tpu.memory_space<vmem>>) target(%dma_start3A_52 : memref<8192xi32, #tpu.memory_space<vmem_shared>>) offsets(%dma_start3A_50 : memref<128xi32, #tpu.memory_space<vmem>>) semaphore(%run_scoped3A_48 : memref<!tpu.dma_semaphore, #tpu.memory_space<semaphore_mem>>) {add = true}
      %dma_wait3A = arith.constant 0 : i32
      %dma_wait3A_53 = tpu.memref_slice %arg4[%run_scoped3A_41, %dma_wait3A] : memref<4x128xi32, #tpu.memory_space<vmem>> -> memref<1x128xi32, #tpu.memory_space<vmem>>
      %dma_wait3A_54 = tpu.memref_squeeze %dma_wait3A_53 : memref<1x128xi32, #tpu.memory_space<vmem>> -> memref<128xi32, #tpu.memory_space<vmem>>
      %dma_wait3A_55 = arith.constant 0 : i32
      %dma_wait3A_56 = tpu.memref_slice %arg7[%dma_wait3A_55] : memref<8192xi32, #tpu.memory_space<vmem_shared>> -> memref<8192xi32, #tpu.memory_space<vmem_shared>>
      tpu.wait_indirect_dma semaphore(%run_scoped3A_48 : memref<!tpu.dma_semaphore, #tpu.memory_space<semaphore_mem>>) src(%arg5 : memref<128xi32, #tpu.memory_space<vmem>>) dst(%dma_wait3A_56 : memref<8192xi32, #tpu.memory_space<vmem_shared>>)
      tpu.yield
    }) : () -> ()
    %barrier3A_42 = arith.constant 0 : index
    tpu.barrier barrier_id(%barrier3A_42)
    %eq3A_43 = arith.constant 0 : i32
    %eq3A_44 = arith.cmpi eq, %arg1, %eq3A_43 : i32
    %convert_element_type3A_45 = arith.extui %eq3A_44 : i1 to i32
    %cond3A_46 = arith.constant 0 : i32
    %cond3A_47 = arith.cmpi ne, %convert_element_type3A_45, %cond3A_46 : i32
    scf.if %cond3A_47 {
      "tpu.region"() ({
        %run_scoped3A_48 = tpu.sem_alloc : memref<!tpu.dma_semaphore, #tpu.memory_space<semaphore_mem>>
        %dma_start3A = arith.constant 0 : i32
        %dma_start3A_49 = tpu.memref_slice %arg3[%arg0, %dma_start3A] : memref<2x8192xi32, #tpu.memory_space<hbm>> -> memref<1x8192xi32, #tpu.memory_space<hbm>>
        %dma_start3A_50 = tpu.memref_squeeze %dma_start3A_49 : memref<1x8192xi32, #tpu.memory_space<hbm>> -> memref<8192xi32, #tpu.memory_space<hbm>>
        tpu.enqueue_dma source(%arg7 : memref<8192xi32, #tpu.memory_space<vmem_shared>>) target(%dma_start3A_50 : memref<8192xi32, #tpu.memory_space<hbm>>) target_semaphore(%run_scoped3A_48 : memref<!tpu.dma_semaphore, #tpu.memory_space<semaphore_mem>>)
        %dma_wait3A = arith.constant 0 : i32
        %dma_wait3A_51 = tpu.memref_slice %arg3[%arg0, %dma_wait3A] : memref<2x8192xi32, #tpu.memory_space<hbm>> -> memref<1x8192xi32, #tpu.memory_space<hbm>>
        %dma_wait3A_52 = tpu.memref_squeeze %dma_wait3A_51 : memref<1x8192xi32, #tpu.memory_space<hbm>> -> memref<8192xi32, #tpu.memory_space<hbm>>
        tpu.wait_dma2 semaphore(%run_scoped3A_48 : memref<!tpu.dma_semaphore, #tpu.memory_space<semaphore_mem>>) src(%arg7 : memref<8192xi32, #tpu.memory_space<vmem_shared>>) dst(%dma_wait3A_52 : memref<8192xi32, #tpu.memory_space<hbm>>)
        tpu.yield
      }) : () -> ()
    } else {
    }
    return
  }
}

module attributes {stable_mosaic.version = 14 : i64} {
  func.func @_main_body(%arg0: i32, %arg1: memref<512x32xf32, #tpu.memory_space<vmem>>, %arg2: memref<8192x32xf32, #tpu.memory_space<vmem>>, %arg3: memref<512x32xf32, #tpu.memory_space<vmem>>, %arg4: memref<512x1xf32, #tpu.memory_space<vmem>>, %arg5: memref<1x8192xf32, #tpu.memory_space<vmem>>, %arg6: memref<512x32xf32, #tpu.memory_space<vmem>>, %arg7: memref<512x1xi32, #tpu.memory_space<vmem>>) attributes {dimension_semantics = [#tpu.dimension_semantics<arbitrary>], iteration_bounds = array<i64: 32>, scalar_prefetch = 0 : i64, scratch_operands = 0 : i64, tpu.core_type = #tpu.core_type<tc>, window_params = [{transform_indices = @transform_0, window_bounds = array<i64: 512, 32>}, {pipeline_mode = #tpu.pipeline_mode<synchronous>, transform_indices = @transform_1, window_bounds = array<i64: 8192, 32>}, {transform_indices = @transform_2, window_bounds = array<i64: 512, 32>}, {transform_indices = @transform_3, window_bounds = array<i64: 512, 1>}, {pipeline_mode = #tpu.pipeline_mode<synchronous>, transform_indices = @transform_4, window_bounds = array<i64: 1, 8192>}, {transform_indices = @transform_5, window_bounds = array<i64: 512, 32>}, {transform_indices = @transform_6, window_bounds = array<i64: 512, 1>}]} {
    %get3A = arith.constant 0 : index
    %get3A_0 = arith.constant 0 : index
    %get3A_1 = vector.load %arg1[%get3A, %get3A_0] : memref<512x32xf32, #tpu.memory_space<vmem>>, vector<512x32xf32>
    %get3A_2 = arith.constant 0 : index
    %get3A_3 = arith.constant 0 : index
    %get3A_4 = vector.load %arg2[%get3A_2, %get3A_3] : memref<8192x32xf32, #tpu.memory_space<vmem>>, vector<8192x32xf32>
    %get3A_5 = arith.constant 0 : index
    %get3A_6 = arith.constant 0 : index
    %get3A_7 = vector.load %arg3[%get3A_5, %get3A_6] : memref<512x32xf32, #tpu.memory_space<vmem>>, vector<512x32xf32>
    %get3A_8 = arith.constant 0 : index
    %get3A_9 = arith.constant 0 : index
    %get3A_10 = vector.load %arg4[%get3A_8, %get3A_9] : memref<512x1xf32, #tpu.memory_space<vmem>>, vector<512x1xf32>
    %get3A_11 = arith.constant 0 : index
    %get3A_12 = arith.constant 0 : index
    %get3A_13 = vector.load %arg5[%get3A_11, %get3A_12] : memref<1x8192xf32, #tpu.memory_space<vmem>>, vector<1x8192xf32>
    %dot_general3A = arith.constant dense<0.000000e+00> : vector<512x8192xf32>
    %dot_general3A_14 = tpu.matmul %get3A_1, %get3A_4, %dot_general3A {dimension_numbers = #tpu.dot_dimension_numbers<[1], [1], [0], [0], [0, 0, 1, 0], [], []>, transpose_lhs_hint = false} : vector<512x32xf32>, vector<8192x32xf32>, vector<512x8192xf32> -> vector<512x8192xf32>
    %mul3A = arith.constant 2.000000e+00 : f32
    %mul3A_15 = vector.broadcast %mul3A : f32 to vector<512x8192xf32>
    %mul3A_16 = arith.mulf %mul3A_15, %dot_general3A_14 : vector<512x8192xf32>
    %sub3A = vector.broadcast %get3A_10 : vector<512x1xf32> to vector<512x8192xf32>
    %sub3A_17 = arith.subf %sub3A, %mul3A_16 : vector<512x8192xf32>
    %add3A = vector.broadcast %get3A_13 : vector<1x8192xf32> to vector<512x8192xf32>
    %add3A_18 = arith.addf %sub3A_17, %add3A : vector<512x8192xf32>
    %reduce_min3A = arith.constant dense<0x7F800000> : vector<512xf32>
    %reduce_min3A_19 = vector.multi_reduction <minimumf>, %add3A_18, %reduce_min3A [1] : vector<512x8192xf32> to vector<512xf32>
    %broadcast_in_dim3A = vector.shape_cast %reduce_min3A_19 : vector<512xf32> to vector<512x1xf32>
    %iota3A = tpu.iota {dimensions = array<i32: 1>} : vector<512x8192xi32>
    %eq3A = vector.broadcast %broadcast_in_dim3A : vector<512x1xf32> to vector<512x8192xf32>
    %eq3A_20 = arith.cmpf oeq, %add3A_18, %eq3A : vector<512x8192xf32>
    %jit3A = arith.constant 8192 : i32
    %broadcast_in_dim3A_21 = vector.broadcast %jit3A : i32 to vector<512x8192xi32>
    %select_n3A = arith.select %eq3A_20, %iota3A, %broadcast_in_dim3A_21 : vector<512x8192xi1>, vector<512x8192xi32>
    %reduce_min3A_22 = arith.constant dense<2147483647> : vector<512xi32>
    %reduce_min3A_23 = vector.multi_reduction <minsi>, %select_n3A, %reduce_min3A_22 [1] : vector<512x8192xi32> to vector<512xi32>
    %broadcast_in_dim3A_24 = vector.shape_cast %reduce_min3A_23 : vector<512xi32> to vector<512x1xi32>
    %max3A = arith.constant 0.000000e+00 : f32
    %max3A_25 = vector.broadcast %max3A : f32 to vector<512x1xf32>
    %max3A_26 = arith.maximumf %broadcast_in_dim3A, %max3A_25 : vector<512x1xf32>
    %sqrt3A = math.sqrt %max3A_26 : vector<512x1xf32>
    %mul3A_27 = arith.mulf %get3A_7, %get3A_7 : vector<512x32xf32>
    %reduce_sum3A = arith.constant dense<0.000000e+00> : vector<512xf32>
    %reduce_sum3A_28 = vector.multi_reduction <add>, %mul3A_27, %reduce_sum3A [1] : vector<512x32xf32> to vector<512xf32>
    %broadcast_in_dim3A_29 = vector.shape_cast %reduce_sum3A_28 : vector<512xf32> to vector<512x1xf32>
    %sqrt3A_30 = math.sqrt %broadcast_in_dim3A_29 : vector<512x1xf32>
    %add3A_31 = arith.constant 9.99999996E-13 : f32
    %add3A_32 = vector.broadcast %add3A_31 : f32 to vector<512x1xf32>
    %add3A_33 = arith.addf %sqrt3A_30, %add3A_32 : vector<512x1xf32>
    %div3A = arith.divf %sqrt3A, %add3A_33 : vector<512x1xf32>
    %mul3A_34 = vector.broadcast %div3A : vector<512x1xf32> to vector<512x32xf32>
    %mul3A_35 = arith.mulf %mul3A_34, %get3A_7 : vector<512x32xf32>
    %add3A_36 = arith.addf %get3A_1, %mul3A_35 : vector<512x32xf32>
    %swap3A = arith.constant 0 : index
    %swap3A_37 = arith.constant 0 : index
    %swap3A_38 = vector.load %arg6[%swap3A, %swap3A_37] : memref<512x32xf32, #tpu.memory_space<vmem>>, vector<512x32xf32>
    tpu.vector_store %arg6[%swap3A, %swap3A_37], %add3A_36 {strides = array<i32>} : memref<512x32xf32, #tpu.memory_space<vmem>>, vector<512x32xf32>,
    %swap3A_39 = arith.constant 0 : index
    %swap3A_40 = arith.constant 0 : index
    %swap3A_41 = vector.load %arg7[%swap3A_39, %swap3A_40] : memref<512x1xi32, #tpu.memory_space<vmem>>, vector<512x1xi32>
    tpu.vector_store %arg7[%swap3A_39, %swap3A_40], %broadcast_in_dim3A_24 {strides = array<i32>} : memref<512x1xi32, #tpu.memory_space<vmem>>, vector<512x1xi32>,
    return
  }
  func.func @transform_0(%arg0: i32) -> (i32, i32) {
    %c0_i32 = arith.constant 0 : i32
    %c0_i32_0 = arith.constant 0 : i32
    return %arg0, %c0_i32 : i32, i32
  }
  func.func @transform_1(%arg0: i32) -> (i32, i32) {
    %c0_i32 = arith.constant 0 : i32
    %c0_i32_0 = arith.constant 0 : i32
    %c0_i32_1 = arith.constant 0 : i32
    return %c0_i32, %c0_i32_0 : i32, i32
  }
  func.func @transform_2(%arg0: i32) -> (i32, i32) {
    %c0_i32 = arith.constant 0 : i32
    %c0_i32_0 = arith.constant 0 : i32
    return %arg0, %c0_i32 : i32, i32
  }
  func.func @transform_3(%arg0: i32) -> (i32, i32) {
    %c0_i32 = arith.constant 0 : i32
    %c0_i32_0 = arith.constant 0 : i32
    return %arg0, %c0_i32 : i32, i32
  }
  func.func @transform_4(%arg0: i32) -> (i32, i32) {
    %c0_i32 = arith.constant 0 : i32
    %c0_i32_0 = arith.constant 0 : i32
    %c0_i32_1 = arith.constant 0 : i32
    return %c0_i32, %c0_i32_0 : i32, i32
  }
  func.func @transform_5(%arg0: i32) -> (i32, i32) {
    %c0_i32 = arith.constant 0 : i32
    %c0_i32_0 = arith.constant 0 : i32
    return %arg0, %c0_i32 : i32, i32
  }
  func.func @transform_6(%arg0: i32) -> (i32, i32) {
    %c0_i32 = arith.constant 0 : i32
    %c0_i32_0 = arith.constant 0 : i32
    return %arg0, %c0_i32 : i32, i32
  }
}

module attributes {stable_mosaic.version = 14 : i64} {
  func.func @_reduce_perplexity_body(%arg0: memref<2x8192xi32, #tpu.memory_space<vmem>>, %arg1: memref<1x8192xi32, #tpu.memory_space<vmem>>, %arg2: memref<1x1xf32, #tpu.memory_space<vmem>>) attributes {dimension_semantics = [], scalar_prefetch = 0 : i64, scratch_operands = 0 : i64, tpu.core_type = #tpu.core_type<tc>} {
    %get3A = arith.constant 0 : index
    %get3A_0 = arith.constant 0 : index
    %get3A_1 = vector.load %arg0[%get3A, %get3A_0] : memref<2x8192xi32, #tpu.memory_space<vmem>>, vector<2x8192xi32>
    %reduce_sum3A = arith.constant dense<0> : vector<8192xi32>
    %reduce_sum3A_2 = vector.multi_reduction <add>, %get3A_1, %reduce_sum3A [0] : vector<2x8192xi32> to vector<8192xi32>
    %broadcast_in_dim3A = vector.shape_cast %reduce_sum3A_2 : vector<8192xi32> to vector<1x8192xi32>
    %swap3A = arith.constant 0 : index
    %swap3A_3 = arith.constant 0 : index
    %swap3A_4 = vector.load %arg1[%swap3A, %swap3A_3] : memref<1x8192xi32, #tpu.memory_space<vmem>>, vector<1x8192xi32>
    tpu.vector_store %arg1[%swap3A, %swap3A_3], %broadcast_in_dim3A {strides = array<i32>} : memref<1x8192xi32, #tpu.memory_space<vmem>>, vector<1x8192xi32>,
    %convert_element_type3A = arith.sitofp %broadcast_in_dim3A : vector<1x8192xi32> to vector<1x8192xf32>
    %div3A = arith.constant 1.638400e+04 : f32
    %div3A_5 = vector.broadcast %div3A : f32 to vector<1x8192xf32>
    %div3A_6 = arith.divf %convert_element_type3A, %div3A_5 : vector<1x8192xf32>
    %add3A = arith.constant 9.99999996E-13 : f32
    %add3A_7 = vector.broadcast %add3A : f32 to vector<1x8192xf32>
    %add3A_8 = arith.addf %div3A_6, %add3A_7 : vector<1x8192xf32>
    %log3A = math.log %add3A_8 : vector<1x8192xf32>
    %mul3A = arith.mulf %div3A_6, %log3A : vector<1x8192xf32>
    %reduce_sum3A_9 = vector.shape_cast %mul3A : vector<1x8192xf32> to vector<1x1x8192xf32>
    %reduce_sum3A_10 = arith.constant dense<0.000000e+00> : vector<1xf32>
    %reduce_sum3A_11 = vector.multi_reduction <add>, %reduce_sum3A_9, %reduce_sum3A_10 [1, 2] : vector<1x1x8192xf32> to vector<1xf32>
    %reduce_sum3A_12 = vector.shape_cast %reduce_sum3A_11 : vector<1xf32> to vector<1x1x1xf32>
    %reduce_sum3A_13 = vector.extract %reduce_sum3A_12[0, 0, 0] : f32 from vector<1x1x1xf32>
    %broadcast_in_dim3A_14 = vector.broadcast %reduce_sum3A_13 : f32 to vector<1x1xf32>
    %neg3A = arith.constant 0.000000e+00 : f32
    %neg3A_15 = vector.broadcast %neg3A : f32 to vector<1x1xf32>
    %neg3A_16 = arith.subf %neg3A_15, %broadcast_in_dim3A_14 : vector<1x1xf32>
    %exp3A = math.exp %neg3A_16 : vector<1x1xf32>
    %swap3A_17 = arith.constant 0 : index
    %swap3A_18 = arith.constant 0 : index
    %swap3A_19 = vector.load %arg2[%swap3A_17, %swap3A_18] : memref<1x1xf32, #tpu.memory_space<vmem>>, vector<1x1xf32>
    tpu.vector_store %arg2[%swap3A_17, %swap3A_18], %exp3A {strides = array<i32>} : memref<1x1xf32, #tpu.memory_space<vmem>>, vector<1x1xf32>,
    return
  }
}

</mosaic_0001>

<sc_bundles>
// kernel: kernel.5.cloned.1.call-start
scs
__scs_entry_jumppad:
0x0: {  	(pc) =	sbr.rel $0x88, $3  }
0x1: {  	(tag) =	ssettag $0x0;
	lr =	simm.s32 $0x1  }
0x2: {  	[smem:$0x3F9F] =	sst lr;
	_ =	strace $0xD0000000  }
0x3: {  	_ = 	snop  }
0x4: {  	_ = 	snop  }
0x5: {  	_ = 	snop  }
0x6: {  	_ = 	snop  }
0x7: {  	_ = 	snop  }
__scs_overlays_trampoline_lowered:
0x8: {  	[smem:$0x3FAE] =	sst s0  }
0x9: {  	[smem:$0x3FAF] =	sst s1  }
0xa: {  	[smem:$0x3FB0] =	sst s2  }
0xb: {  	[smem:$0x3FB1] =	sst s3  }
0xc: {  	[smem:$0x3FB2] =	sst s4  }
0xd: {  	[smem:$0x3FB3] =	sst s5  }
0xe: {  	[smem:$0x3FB4] =	sst s6  }
0xf: {  	[smem:$0x3FB5] =	sst s7  }
0x10: {  	[smem:$0x3FB6] =	sst s8  }
0x11: {  	[smem:$0x3FB7] =	sst s9;
	s0 =	simm.s32 @!p0 $0x0  }
0x12: {  	s1 =	sld [smem:$0x3F9D];
	s0 =	simm.s32 @p0 $0x1  }
0x13: {  	[smem:$0x3FB8] =	sst s0;
	s0 =	simm.s32 @!p1 $0x0  }
0x14: {  	s2 =	sld [smem:$0x3F9C];
	s0 =	simm.s32 @p1 $0x1  }
0x15: {  	[smem:$0x3FB9] =	sst s0;
	s0 =	simm.s32 @!p2 $0x0  }
0x16: {  	s3 =	sld [smem:$0x3FDB];
	s0 =	simm.s32 @p2 $0x1  }
0x17: {  	s4 =	simm.s32 $0x1BF5;
	[smem:$0x3FBB] =	sst s0  }
0x18: {  	s0 =	sld [smem:$0x3F9E];
	_ =	swait.ge [sflag:s4], $0x0  }
0x19: {  	s7 =	sld [smem:$0x3F9F]  }
0x1a: {  	s8 =	sadd.s32 $0xFFFFE003, lr  }
0x1b: {  	s9 =	sadd.s32 $0xFFFFFEF7, lr;
	s5 =	simm.s32 $0xFFFFFFFF;
	p2 =	slt.u32 s8, $0xFFFFF086  }
0x1c: {  	p1 =	slt.u32 s9, $0xF7A;
	s5 =	simm.s32 @!p2 $0x0  }
0x1d: {  	s5 =	simm.s32 @p1 $0x1;
	p0 =	seq.s32 s7, s2  }
0x1e: {  	s7 =	smul.u32 @!p0 $0xF7A, s2;
	p2 =	seq.s32 @!p0 s5, $0x0  }
0x1f: {  	s9 =	smul.u32 $0xF7A, s1;
	s8 =	simm.s32 @!p0 $0x1BF5;
	p2 =	por !p2, p0  }
0x20: {  	[sflag:s8] =	ssyncset.s32 @!p0 $0xFFFFF086;
	s6 =	sadd.s32 @!p0 s3, s7;
	s7 =	simm.s32 @!p0 $0x108  }
0x21: {  	s3 =	sadd.s32 s3, s9;
	s6 =	sadd.s32 @!p0 $0x88, s6;
	s7 =	simm.s32 @p2 $0x1082  }
0x22: {  	[simem:s7], [sflag:s8] =	dma.local @!p0 [hbm:s6], $0xF7A  }
0x23: {  	s9 =	sor.u32 $0xD0000000, s2;
	s6 =	simm.s32 $0x108;
	_ =	swait.ge @!p0 [sflag:s8], $0x0  }
0x24: {  	s3 =	sadd.s32 $0x88, s3;
	s6 =	simm.s32 @!p1 $0x1082;
	[sflag:s4] =	ssyncset.s32 $0xFFFFF086  }
0x25: {  	[simem:s6], [sflag:s4] =	dma.local [hbm:s3], $0xF7A  }
0x26: {  	[smem:$0x3F9F] =	sst s1;
	(tag) =	ssettag s2;
	_ =	strace s9  }
0x27: {  	s1 =	sld [smem:$0x3FAF]  }
0x28: {  	s2 =	sld [smem:$0x3FB0]  }
0x29: {  	s4 =	sld [smem:$0x3FB2]  }
0x2a: {  	p0 =	seq.s32 s5, $0x0;
	s5 =	sld [smem:$0x3FB3]  }
0x2b: {  	s6 =	sld [smem:$0x3FB4]  }
0x2c: {  	s7 =	sld [smem:$0x3FB5]  }
0x2d: {  	s3 =	simm.s32 $0x108;
	s8 =	sld [smem:$0x3FB6]  }
0x2e: {  	s3 =	simm.s32 @!p0 $0x1082;
	s9 =	sld [smem:$0x3FB7]  }
0x2f: {  	lr =	sadd.s32 s0, s3;
	s0 =	sld [smem:$0x3FAE]  }
0x30: {  	s3 =	sld [smem:$0x3FB1]  }
0x31: {  	[smem:$0x3FBA] =	sst s10  }
0x32: {  	s10 =	sld [smem:$0x3FB8];
	_ =	sdelay $0x3  }
0x33: {  	p0 =	seq.s32 s10, $0x1;
	s10 =	sld [smem:$0x3FBA];
	_ =	sdelay $0x3  }
0x34: {  	[smem:$0x3FBA] =	sst s10  }
0x35: {  	s10 =	sld [smem:$0x3FB9];
	_ =	sdelay $0x3  }
0x36: {  	p1 =	seq.s32 s10, $0x1;
	s10 =	sld [smem:$0x3FBA];
	_ =	sdelay $0x3  }
0x37: {  	[smem:$0x3FBA] =	sst s10  }
0x38: {  	s10 =	sld [smem:$0x3FBB]  }
0x39: {  	_ = 	snop;
	(pc) =	sbr.ind lr, $3  }
0x3a: {  	_ = 	snop  }
0x3b: {  	_ = 	snop  }
0x3c: {  	p2 =	seq.s32 s10, $0x1;
	s10 =	sld [smem:$0x3FBA]  }
0x3d: {  	_ =	shalt  }
0x3e: {  	_ =	shalt  }
0x3f: {  	_ =	shalt  }
0x40: {  	_ =	shalt  }
0x41: {  	_ =	shalt  }
0x42: {  	_ =	shalt  }
0x43: {  	_ =	shalt  }
0x44: {  	_ =	shalt  }
0x45: {  	_ =	shalt  }
0x46: {  	_ =	shalt  }
0x47: {  	_ =	shalt  }
0x48: {  	_ =	shalt  }
0x49: {  	_ =	shalt  }
0x4a: {  	_ =	shalt  }
0x4b: {  	_ =	shalt  }
0x4c: {  	_ =	shalt  }
0x4d: {  	_ =	shalt  }
0x4e: {  	_ =	shalt  }
0x4f: {  	_ =	shalt  }
0x50: {  	_ =	shalt  }
0x51: {  	_ =	shalt  }
0x52: {  	_ =	shalt  }
0x53: {  	_ =	shalt  }
0x54: {  	_ =	shalt  }
0x55: {  	_ =	shalt  }
0x56: {  	_ =	shalt  }
0x57: {  	_ =	shalt  }
0x58: {  	_ =	shalt  }
0x59: {  	_ =	shalt  }
0x5a: {  	_ =	shalt  }
0x5b: {  	_ =	shalt  }
0x5c: {  	_ =	shalt  }
0x5d: {  	_ =	shalt  }
0x5e: {  	_ =	shalt  }
0x5f: {  	_ =	shalt  }
0x60: {  	_ =	shalt  }
0x61: {  	_ =	shalt  }
0x62: {  	_ =	shalt  }
0x63: {  	_ =	shalt  }
0x64: {  	_ =	shalt  }
0x65: {  	_ =	shalt  }
0x66: {  	_ =	shalt  }
0x67: {  	_ =	shalt  }
0x68: {  	_ =	shalt  }
0x69: {  	_ =	shalt  }
0x6a: {  	_ =	shalt  }
0x6b: {  	_ =	shalt  }
0x6c: {  	_ =	shalt  }
0x6d: {  	_ =	shalt  }
0x6e: {  	_ =	shalt  }
0x6f: {  	_ =	shalt  }
0x70: {  	_ =	shalt  }
0x71: {  	_ =	shalt  }
0x72: {  	_ =	shalt  }
0x73: {  	_ =	shalt  }
0x74: {  	_ =	shalt  }
0x75: {  	_ =	shalt  }
0x76: {  	_ =	shalt  }
0x77: {  	_ =	shalt  }
0x78: {  	_ =	shalt  }
0x79: {  	_ =	shalt  }
0x7a: {  	_ =	shalt  }
0x7b: {  	_ =	shalt  }
0x7c: {  	_ =	shalt  }
0x7d: {  	_ =	shalt  }
0x7e: {  	_ =	shalt  }
0x7f: {  	_ =	shalt  }
0x80: {  	_ =	shalt  }
0x81: {  	_ =	shalt  }
0x82: {  	_ =	shalt  }
0x83: {  	_ =	shalt  }
0x84: {  	_ =	shalt  }
0x85: {  	_ =	shalt  }
0x86: {  	_ =	shalt  }
0x87: {  	_ =	shalt  }
.Lfunc_end0:
.L_simem_size_0:
called_computation_lowered:
.L_overlay_start_0:
0x88: {  	s2 =	sld [smem:$0x3FD9]  }
0x89: {  	s3 =	sld [smem:$0x3FFE];
	_ =	sdelay $0x1  }
0x8a: {  	s1 =	srdreg.scid  }
0x8b: {  	s0 =	sand.u32 $0x1, s1  }
0x8c: {  	s16 =	sshll.u32 s0, $0xA;
	s2 =	sadd.s32 s3, s2  }
0x8d: {  	s2 =	sadd.s32 s2, s16  }
0x8e: {  	[smem:$0x3FC6] =	sst s2  }
0x8f: {  	_ = 	snop  }
0x90: {  	(tm) =	ssettm $0x1  }
0x91: {  	s17 =	sld [smem:$0x3FFB];
	_ =	sdelay $0x3  }
0x92: {  	_ =	strace s17  }
0x93: {  	s2 =	sld [smem:$0x3FFC];
	_ =	sdelay $0x3  }
0x94: {  	_ =	strace s2  }
0x95: {  	s2 =	sld [smem:$0x3FFD];
	_ =	sdelay $0x3  }
0x96: {  	_ =	strace s2  }
0x97: {  	_ =	strace $0x8FFFFFFF  }
0x98: {  	s18 =	sld [smem:$0x3FDB];
	_ =	sdelay $0x1  }
0x99: {  	s19 =	simm.s32 $_scs_section_size  }
0x9a: {  	s4 =	simm.s32 $_size__tile_overlayer_lowered;
	s5 =	simm.s32 $_tile_overlayer_lowered  }
0x9b: {  	s22 =	simm.s32 $0x1BFF;
	s21 =	sshll.u32 s5, $0x1;
	s2 =	sadd.s32 s19, s18  }
0x9c: {  	s6 =	simm.s32 $0x0;
	s20 =	sshll.u32 s4, $0x1;
	s4 =	sadd.s32 s21, s2  }
0x9d: {  	[timem:s6], [sflag:s22] =	dma.local [hbm:s4], s20  }
0x9e: {  	_ =	swait.ge [sflag:s22], s20  }
0x9f: {  	s3 =	ssub.s32 $0x0, s20;
	[sflag:s22] =	ssyncset.done $0x0  }
0xa0: {  	[sflag:s22] =	ssyncadd.s32 s3;
	_ =	sdelay $0x1  }
0xa1: {  	s23 =	simm.s32 $0x1B8B  }
0xa2: {  	_ =	swait.ge [sflag:s23], $0x1  }
0xa3: {  	[sflag:s23] =	ssyncset.done $0x0  }
0xa4: {  	s25 =	simm.s32 $0x1B8E;
	s24 =	sld [smem:$0x3FFE];
	[sflag:s23] =	ssyncadd.s32 $0xFFFFFFFF  }
0xa5: {  	s26 =	simm.s32 $execute0_lowered;
	[smem:$0x3FD2] =	sst s25  }
0xa6: {  	s4 =	sshll.u32 s26, $0x1;
	_ =	strace $0x80000046;
	[dreg:$0x1] =	wrdreg $0xFFFFFFFF  }
0xa7: {  	s28 =	simm.s32 $_size_execute0_lowered;
	s2 =	sadd.s32 s2, s4;
	[dreg:$0x0] =	wrdreg $0x0  }
0xa8: {  	s4 =	sshll.u32 s28, $0x1;
	[dreg:$0x2] =	wrdreg s2  }
0xa9: {  	[dreg:$0x3] =	wrdreg s4  }
0xaa: {  	[dreg:$0x4] =	wrdreg $0xC0  }
0xab: {  	_ =	task [dreg:s6], $0x5FFFF  }
0xac: {  	[dreg:$0x1] =	wrdreg $0xFFFFFFFF  }
0xad: {  	[dreg:$0x0] =	wrdreg $0x60  }
0xae: {  	[dreg:$0x2] =	wrdreg s24  }
0xaf: {  	[dreg:$0x3] =	wrdreg $0x22800  }
0xb0: {  	[dreg:$0x4] =	wrdreg $0x9  }
0xb1: {  	_ =	task.clear_ibuf [dreg:s6], $0x5FFFF;
	_ =	strace $0x90000046  }
0xb2: {  	s29 =	simm.s32 $0x9;
	_ =	strace $0x80000048  }
0xb3: {  	_ =	swait.ge [sflag:s29], $0x1  }
0xb4: {  	[sflag:s29] =	ssyncadd.s32 $0xFFFFFFFF  }
0xb5: {  	_ =	strace $0x90000048  }
0xb6: {  	_ =	sfence  }
0xb7: {  	s30 =	sld [smem:$0x0];
	_ =	sdelay $0x2  }
0xb8: {  	s31 =	sshll.u32 s1, $0xD;
	s1 =	sshrl.u32 s1, $0x2  }
0xb9: {  	s3 =	sand.u32 $0x4000, s31;
	s1 =	sadd.s32 s1, s30  }
0xba: {  	s0 =	sor.u32 s3, s0;
	s1 =	sshll.u32 s1, $0x11  }
0xbb: {  	s0 =	sor.u32 s1, s0  }
0xbc: {  	s0 =	sadd.s32 $0x8F2B, s0  }
0xbd: {  	[sflag:s0] =	ssyncadd.remote.s32 $0x1  }
0xbe: {  	_ =	sfence.sel $0xFFFF  }
0xbf: {  	[dreg:$0x0] =	wrdreg $0xFFFFFFFF;
	(pc) =	sbr.abs _section_cstart, $3  }
0xc0: {  	[dreg:$0x1] =	wrdreg $0xFFFFFFFF  }
0xc1: {  	_ =	task.clear_ibuf [dreg:s6], $0x2FFFF;
	_ =	strace $0x9FFFFFFF  }
0xc2: {  	(tm) =	ssettm $0x7FFFFFFF  }
0xc3: {  	_ =	shalt  }
tec
execute0_lowered:
.L_overlay_start_1:
0x0: {  	(tag) =	ssettag $0x1  }
0x1: {  	s3 =	rddreg [dreg:$0x0]  }
0x2: {  	s1 =	rddreg [dreg:$0x1];
	s4 =	srdreg.scid  }
0x3: {  	s0 =	rddreg [dreg:$0x2];
	s2 =	simm.s32 $0x0;
	s7 =	stileid.u32  }
0x4: {  	s9 =	simm.s32 $0x200;
	s10 =	simm.s32 $0x100;
	s11 =	simm.s32 $0x180  }
0x5: {  	s13 =	simm.s32 $0x0;
	s4 =	sand.u32 $0x1, s4;
	[smem:$0x7FF] =	sst s2  }
0x6: {  	s31 =	sshll.u32 s7, $0x7;
	p0 =	sne.s32 s7, $0x0;
	s7 =	simm.s32 $0x280  }
.Ltmp0:
0x7: {  	s5 =	sshll.u32 s4, $0x4;
	_ =	strace $0x80000047;
	(pc) =	sbr.rel .LBB2_1-.Ltmp0, $4  }
0x8: {  	s6 =	ssub.s32 $0x2, s4;
	s4 =	sshll.u32 s4, $0x6;
	s12 =	sshrl.u32 @!p0 s1, $0x3  }
0x9: {  	s5 =	sadd.s32 s5, s3;
	s8 =	sshrl.u32 s6, $0x1;
	s3 =	sadd.s32 s3, s4  }
0xa: {  	s6 =	ssub.s32 s6, s8;
	s3 =	sadd.s32 s31, s3;
	s4 =	sadd.s32 $0x800, s5  }
0xb: {  	v0 =	vimm.s32 $0x1;
	v1 =	vimm.s32 $0x0;
	s8 =	simm.s32 $0x80;
	s5 =	smax.u32 s6, $0x1;
	s6 =	simm.s32 $0x1  }
.LBB2_5:
0xc: {  	[bflag:$0x0] =	sbarrier.arrive $0xFFFF  }
0xd: {  	[spmem:s1] =	stream.indirect.scatter.add.s32 [tilespmem:s9], [sflag:$0x1], $0x1, s2, s8, $0xb8;
	[tilespmem:$0x2480] =	vst v63  }
0xe: {  	_ =	swait.ge [sflag:s6], $0x80  }
0xf: {  	[sflag:s6] =	ssyncset.done $0x0  }
0x10: {  	[sflag:s6] =	ssyncadd.s32 $0xFFFFFF80  }
0x11: {  	[spmem:s1] =	stream.indirect.scatter.add.s32 [tilespmem:s9], [sflag:$0x1], $0x1, s8, s8, $0xb8;
	[tilespmem:$0x2480] =	vst v63  }
0x12: {  	_ =	swait.ge [sflag:s6], $0x80  }
0x13: {  	[sflag:s6] =	ssyncset.done $0x0  }
0x14: {  	[sflag:s6] =	ssyncadd.s32 $0xFFFFFF80  }
0x15: {  	[spmem:s1] =	stream.indirect.scatter.add.s32 [tilespmem:s9], [sflag:$0x1], $0x1, s10, s8, $0xb8;
	[tilespmem:$0x2480] =	vst v63  }
0x16: {  	_ =	swait.ge [sflag:s6], $0x80  }
0x17: {  	[sflag:s6] =	ssyncset.done $0x0  }
0x18: {  	[sflag:s6] =	ssyncadd.s32 $0xFFFFFF80  }
0x19: {  	[spmem:s1] =	stream.indirect.scatter.add.s32 [tilespmem:s9], [sflag:$0x1], $0x1, s11, s8, $0xb8;
	[tilespmem:$0x2480] =	vst v63  }
0x1a: {  	s14 =	simm.s32 @!p0 $0x1;
	_ =	swait.ge [sflag:s6], $0x80  }
0x1b: {  	s15 =	simm.s32 @!p0 $0x20;
	s13 =	sadd.s32 $0x1, s13;
	[sflag:s6] =	ssyncset.done $0x0  }
0x1c: {  	s16 =	simm.s32 @!p0 $0x10;
	p1 =	sne.s32 s13, s5;
	[sflag:s6] =	ssyncadd.s32 $0xFFFFFF80  }
.Ltmp1:
0x1d: {  	s17 =	simm.s32 @!p0 $0x1C01;
	[bflag:$0x0] =	sbarrier.arrive $0xFFFF;
	(pc) =	sbr.rel @!p1 .LBB2_6-.Ltmp1, $4  }
0x1e: {  	[hbm:s4@s15], [sflag:s17] =	dma.strided @!p0 [spmem:s12@s16], $0x400, s14, $0x10   }
0x1f: {  	_ =	swait.ge @!p0 [sflag:s14], $0x400  }
0x20: {  	[sflag:s14] =	ssyncset.done @!p0 $0x0  }
0x21: {  	[sflag:s14] =	ssyncadd.s32 @!p0 $0xFFFFFC00  }
.LBB2_1:
0x22: {  	[tilespmem:s2], [sflag:$0x1] =	stream.linear.gather [hbm4b:s3+s2], $0x200, $0x38;
	[tilespmem:$0x2480] =	vst v63  }
0x23: {  	_ =	swait.ge [sflag:s6], $0x200  }
0x24: {  	[sflag:s6] =	ssyncset.done $0x0  }
0x25: {  	[sflag:s6] =	ssyncadd.s32 $0xFFFFFE00  }
0x26: {  	[tilespmem:$0x200] =	vst v0  }
0x27: {  	[tilespmem:$0x210] =	vst v0  }
0x28: {  	[tilespmem:$0x220] =	vst v0  }
.Ltmp2:
0x29: {  	[tilespmem:$0x230] =	vst v0;
	(pc) =	sbr.rel @p0 .LBB2_5-.Ltmp2, $4  }
0x2a: {  	[tilespmem:$0x240] =	vst v0  }
0x2b: {  	[tilespmem:$0x250] =	vst v0  }
0x2c: {  	[tilespmem:$0x260] =	vst v0  }
0x2d: {  	[tilespmem:$0x270] =	vst v0  }
0x2e: {  	s14 =	simm.s32 $0x40;
	s15 =	simm.s32 $0x0  }
.LBB2_3:
0x2f: {  	p1 =	sne.s32 s14, $0x7FC0;
	[tilespmem:s15+$0x280] =	vst v1;
	s15 =	smov.u32 s14;
	s14 =	sadd.s32 $0x40, s14  }
.Ltmp3:
0x30: {  	(pc) =	sbr.rel @p1 .LBB2_3-.Ltmp3, $2  }
0x31: {  	_ =	sdelay $0x2  }
0x32: {  	s15 =	sshra.s32 s15, $0x2  }
.Ltmp4:
0x33: {  	[tilespmem:s15+$0x280] =	vst v1;
	(pc) =	sbr.rel .LBB2_5-.Ltmp4, $4  }
0x34: {  	[spmem:s1] =	stream.linear.scatter [tilespmem:s7], [sflag:$0x1], $0x2000, $0x38;
	[tilespmem:$0x2480] =	vst v63  }
0x35: {  	_ =	swait.ge [sflag:s6], $0x2000  }
0x36: {  	[sflag:s6] =	ssyncset.done $0x0  }
0x37: {  	[sflag:s6] =	ssyncadd.s32 $0xFFFFE000  }
.LBB2_6:
0x38: {  	_ =	sfence.sel $0x180000  }
0x39: {  	[bflag:$0x0] =	sbarrier.arrive $0xFFFF  }
0x3a: {  	_ =	strace $0x90000047  }
0x3b: {  	s0 =	sadd.s32 @!p0 $0x100000, s0;
	[bflag:$0x2] =	sbarrier.arrive $0xFFFF  }
0x3c: {  	[sflag:s0] =	ssyncadd.tile.s32 @!p0 $0x1;
	_ =	shalt  }
.Lfunc_end2:
_tile_overlayer_lowered:
.L_overlay_start_2:
0x3d: {  	(tag) =	ssettag $0x2  }
0x3e: {  	s0 =	rddreg [dreg:$0x0];
	s2 =	stileid.u32  }
0x3f: {  	s1 =	rddreg [dreg:$0x1];
	p0 =	sne.s32 s2, $0x0  }
0x40: {  	s3 =	rddreg [dreg:$0x2];
	[bflag:$0x3] =	sbarrier.arrive $0xFFFF;
	s2 =	simm.s32 @!p0 $0x1C01  }
0x41: {  	[timem:s3], [sflag:s2] =	dma.local @!p0 [hbm:s0], s1  }
0x42: {  	s0 =	simm.s32 @!p0 $0x1  }
0x43: {  	_ =	swait.ge @!p0 [sflag:s0], s1  }
0x44: {  	s1 =	ssub.s32 @!p0 $0x0, s1;
	[sflag:s0] =	ssyncset.done @!p0 $0x0  }
0x45: {  	[sflag:s0] =	ssyncadd.s32 @!p0 s1  }
0x46: {  	[bflag:$0x3] =	sbarrier.arrive $0xFFFF  }
0x47: {  	_ =	shalt  }

</sc_bundles>
